<compile_context>
chip_gen: v7x
topology: tpu7x:2x2x1
jax: 0.10.2.dev20260603
libtpu: 0.0.44.dev20260713+nightly
codegen_flags: <defaults>
</compile_context>

<pallas_src>
import functools

import jax
import jax.numpy as jnp
from jax import lax
from jax.experimental import pallas as pl
from jax.experimental.pallas import tpu as pltpu
from jax.experimental.pallas import tpu_sc as plsc

_G = 32
_D = 768
_HALF = _D // 2
_BATCH = 64
_BB = 2
_TAIL = _BB
_HEAD = _BATCH - _TAIL


def _sc_concat_body(row_hbm, col_hbm, rowcol_hbm):
    cid = lax.axis_index("c")

    @pl.when(cid == 0)
    def _():
        pltpu.sync_copy(row_hbm, rowcol_hbm.at[:, pl.ds(0, _HALF)])

    @pl.when(cid == 1)
    def _():
        pltpu.sync_copy(col_hbm, rowcol_hbm.at[:, pl.ds(_HALF, _HALF)])


def _tc_head_body(row_ref, col_ref, out_ref):
    r = row_ref[...]
    c = col_ref[...]
    re = jnp.broadcast_to(r[:, None, :], (_G, _G, _HALF))
    ce = jnp.broadcast_to(c[None, :, :], (_G, _G, _HALF))
    pos = jnp.concatenate([re, ce], axis=-1)
    out_ref[...] = jnp.broadcast_to(pos[None], (_BB, _G, _G, _D))


def _tc_tail_body(rowcol_ref, part_ref, out_ref):
    del part_ref
    rc = rowcol_ref[...]
    r = rc[:, :_HALF]
    c = rc[:, _HALF:]
    re = jnp.broadcast_to(r[:, None, :], (_G, _G, _HALF))
    ce = jnp.broadcast_to(c[None, :, :], (_G, _G, _HALF))
    pos = jnp.concatenate([re, ce], axis=-1)
    out_ref[...] = pos[None]


def kernel(batch_size, row_table, col_table):
    del batch_size
    mesh = plsc.ScalarSubcoreMesh(axis_name="c", num_cores=2)
    sc_concat = functools.partial(
        pl.kernel,
        mesh=mesh,
        out_type=jax.ShapeDtypeStruct((_G, _D), jnp.float32),
    )(_sc_concat_body)
    part = pl.pallas_call(
        _tc_head_body,
        grid=(_HEAD // _BB,),
        in_specs=[
            pl.BlockSpec((_G, _HALF), lambda b: (0, 0)),
            pl.BlockSpec((_G, _HALF), lambda b: (0, 0)),
        ],
        out_specs=pl.BlockSpec((_BB, _G, _G, _D), lambda b: (b, 0, 0, 0)),
        out_shape=jax.ShapeDtypeStruct((_BATCH, _G, _G, _D), jnp.float32),
    )(row_table, col_table)

    rowcol = sc_concat(row_table, col_table)

    return pl.pallas_call(
        _tc_tail_body,
        grid=(_TAIL,),
        in_specs=[
            pl.BlockSpec((_G, _D), lambda b: (0, 0)),
            pl.BlockSpec(memory_space=pltpu.MemorySpace.HBM),
        ],
        out_specs=pl.BlockSpec((1, _G, _G, _D), lambda b: (_HEAD + b, 0, 0, 0)),
        out_shape=jax.ShapeDtypeStruct((_BATCH, _G, _G, _D), jnp.float32),
        input_output_aliases={1: 0},
    )(rowcol, part)

# --- scband reference (transcript-rebuilt; emitter-appended) ---
"""Pipeline reference for scband-positional-encoding2-d-16466904613268 (READ-ONLY COPY).

The authoritative reference and input builder live on the scoring server;
editing this copy changes nothing except your own understanding.
"""

import jax, jax.numpy as jnp
import numpy as np

GRID_SIZE = 32
EMBED_DIM = 768
BATCH = 64

def setup_inputs(seed: int = 0) -> dict:
    key = jax.random.key(seed)
    k1, k2 = jax.random.split(key)
    half = EMBED_DIM // 2
    row_table = jax.random.normal(k1, (GRID_SIZE, half), dtype=jnp.float32)
    col_table = jax.random.normal(k2, (GRID_SIZE, half), dtype=jnp.float32)
    return {"batch_size": BATCH, "row_table": row_table, "col_table": col_table}

def reference(batch_size, row_table, col_table):
    g = row_table.shape[0]
    rows = jnp.arange(g)
    cols = jnp.arange(g)
    # embedding lookups (gather)
    row_emb = jnp.take(row_table, rows, axis=0)  # [G, D/2]
    col_emb = jnp.take(col_table, cols, axis=0)  # [G, D/2]
    # pos_emb[i, j] = concat(row_emb[i], col_emb[j])
    re = jnp.broadcast_to(row_emb[:, None, :], (g, g, row_emb.shape[-1]))
    ce = jnp.broadcast_to(col_emb[None, :, :], (g, g, col_emb.shape[-1]))
    pos_emb = jnp.concatenate([re, ce], axis=-1)  # [G, G, D]
    out = jnp.broadcast_to(pos_emb[None, :, :, :], (BATCH, g, g, pos_emb.shape[-1]))
    out = out + (jnp.asarray(batch_size) - jnp.asarray(batch_size)).astype(out.dtype)
    return out

if __name__ == "__main__":
    import jax
    _d = setup_inputs()
    print(jax.jit(kernel)(*tuple(_d.values())))

</pallas_src>

<mosaic_0001>
#map = affine_map<(d0) -> (0, 0)>
module attributes {stable_mosaic.version = 14 : i64} {
  func.func @_sc_concat_body(%arg0: i32, %arg1: memref<32x384xf32, #tpu.memory_space<hbm>>, %arg2: memref<32x384xf32, #tpu.memory_space<hbm>>, %arg3: memref<32x768xf32, #tpu.memory_space<hbm>>) attributes {dimension_semantics = [#tpu.dimension_semantics<core_parallel>], iteration_bounds = array<i64: 2>, scalar_prefetch = 0 : i64, scratch_operands = 0 : i64, tpu.core_type = #tpu.core_type<sc_scalar_subcore>, window_params = [{transform_indices = #map}, {transform_indices = #map}, {transform_indices = #map}]} {
    %eq3A = arith.constant 0 : i32
    %eq3A_0 = arith.cmpi eq, %arg0, %eq3A : i32
    %convert_element_type3A = arith.extui %eq3A_0 : i1 to i32
    %cond3A = arith.constant 0 : i32
    %cond3A_1 = arith.cmpi ne, %convert_element_type3A, %cond3A : i32
    scf.if %cond3A_1 {
      "tpu.region"() ({
        %run_scoped3A = tpu.sem_alloc : memref<!tpu.dma_semaphore, #tpu.memory_space<semaphore_mem>>
        %dma_start3A = arith.constant 0 : i32
        %dma_start3A_7 = arith.constant 0 : i32
        %dma_start3A_8 = tpu.memref_slice %arg3[%dma_start3A, %dma_start3A_7] : memref<32x768xf32, #tpu.memory_space<hbm>> -> memref<32x384xf32, #tpu.memory_space<hbm>>
        tpu.enqueue_dma source(%arg1 : memref<32x384xf32, #tpu.memory_space<hbm>>) target(%dma_start3A_8 : memref<32x384xf32, #tpu.memory_space<hbm>>) target_semaphore(%run_scoped3A : memref<!tpu.dma_semaphore, #tpu.memory_space<semaphore_mem>>)
        %dma_wait3A = arith.constant 0 : i32
        %dma_wait3A_9 = arith.constant 0 : i32
        %dma_wait3A_10 = tpu.memref_slice %arg3[%dma_wait3A, %dma_wait3A_9] : memref<32x768xf32, #tpu.memory_space<hbm>> -> memref<32x384xf32, #tpu.memory_space<hbm>>
        tpu.wait_dma2 semaphore(%run_scoped3A : memref<!tpu.dma_semaphore, #tpu.memory_space<semaphore_mem>>) src(%arg1 : memref<32x384xf32, #tpu.memory_space<hbm>>) dst(%dma_wait3A_10 : memref<32x384xf32, #tpu.memory_space<hbm>>)
        tpu.yield
      }) : () -> ()
    } else {
    }
    %eq3A_2 = arith.constant 1 : i32
    %eq3A_3 = arith.cmpi eq, %arg0, %eq3A_2 : i32
    %convert_element_type3A_4 = arith.extui %eq3A_3 : i1 to i32
    %cond3A_5 = arith.constant 0 : i32
    %cond3A_6 = arith.cmpi ne, %convert_element_type3A_4, %cond3A_5 : i32
    scf.if %cond3A_6 {
      "tpu.region"() ({
        %run_scoped3A = tpu.sem_alloc : memref<!tpu.dma_semaphore, #tpu.memory_space<semaphore_mem>>
        %dma_start3A = arith.constant 0 : i32
        %dma_start3A_7 = arith.constant 384 : i32
        %dma_start3A_8 = tpu.memref_slice %arg3[%dma_start3A, %dma_start3A_7] : memref<32x768xf32, #tpu.memory_space<hbm>> -> memref<32x384xf32, #tpu.memory_space<hbm>>
        tpu.enqueue_dma source(%arg2 : memref<32x384xf32, #tpu.memory_space<hbm>>) target(%dma_start3A_8 : memref<32x384xf32, #tpu.memory_space<hbm>>) target_semaphore(%run_scoped3A : memref<!tpu.dma_semaphore, #tpu.memory_space<semaphore_mem>>)
        %dma_wait3A = arith.constant 0 : i32
        %dma_wait3A_9 = arith.constant 384 : i32
        %dma_wait3A_10 = tpu.memref_slice %arg3[%dma_wait3A, %dma_wait3A_9] : memref<32x768xf32, #tpu.memory_space<hbm>> -> memref<32x384xf32, #tpu.memory_space<hbm>>
        tpu.wait_dma2 semaphore(%run_scoped3A : memref<!tpu.dma_semaphore, #tpu.memory_space<semaphore_mem>>) src(%arg2 : memref<32x384xf32, #tpu.memory_space<hbm>>) dst(%dma_wait3A_10 : memref<32x384xf32, #tpu.memory_space<hbm>>)
        tpu.yield
      }) : () -> ()
    } else {
    }
    return
  }
}

module attributes {stable_mosaic.version = 14 : i64} {
  func.func @_tc_head_body(%arg0: i32, %arg1: memref<32x384xf32, #tpu.memory_space<vmem>>, %arg2: memref<32x384xf32, #tpu.memory_space<vmem>>, %arg3: memref<2x32x32x768xf32, #tpu.memory_space<vmem>>) attributes {dimension_semantics = [#tpu.dimension_semantics<arbitrary>], iteration_bounds = array<i64: 31>, scalar_prefetch = 0 : i64, scratch_operands = 0 : i64, tpu.core_type = #tpu.core_type<tc>, window_params = [{pipeline_mode = #tpu.pipeline_mode<synchronous>, transform_indices = @transform_0, window_bounds = array<i64: 32, 384>}, {pipeline_mode = #tpu.pipeline_mode<synchronous>, transform_indices = @transform_1, window_bounds = array<i64: 32, 384>}, {transform_indices = @transform_2, window_bounds = array<i64: 2, 32, 32, 768>}]} {
    %get3A = arith.constant 0 : index
    %get3A_0 = arith.constant 0 : index
    %get3A_1 = vector.load %arg1[%get3A, %get3A_0] : memref<32x384xf32, #tpu.memory_space<vmem>>, vector<32x384xf32>
    %get3A_2 = arith.constant 0 : index
    %get3A_3 = arith.constant 0 : index
    %get3A_4 = vector.load %arg2[%get3A_2, %get3A_3] : memref<32x384xf32, #tpu.memory_space<vmem>>, vector<32x384xf32>
    %broadcast_in_dim3A = vector.shape_cast %get3A_1 : vector<32x384xf32> to vector<32x1x384xf32>
    %broadcast_in_dim3A_5 = vector.shape_cast %broadcast_in_dim3A : vector<32x1x384xf32> to vector<32x1x384xf32>
    %broadcast_in_dim3A_6 = vector.broadcast %broadcast_in_dim3A_5 : vector<32x1x384xf32> to vector<32x32x384xf32>
    %broadcast_in_dim3A_7 = vector.shape_cast %get3A_4 : vector<32x384xf32> to vector<1x32x384xf32>
    %broadcast_in_dim3A_8 = vector.shape_cast %broadcast_in_dim3A_7 : vector<1x32x384xf32> to vector<1x32x384xf32>
    %broadcast_in_dim3A_9 = vector.broadcast %broadcast_in_dim3A_8 : vector<1x32x384xf32> to vector<32x32x384xf32>
    %concatenate3A = tpu.concatenate %broadcast_in_dim3A_6, %broadcast_in_dim3A_9 in 2 : vector<32x32x384xf32>, vector<32x32x384xf32> -> vector<32x32x768xf32>
    %broadcast_in_dim3A_10 = vector.shape_cast %concatenate3A : vector<32x32x768xf32> to vector<1x32x32x768xf32>
    %broadcast_in_dim3A_11 = vector.shape_cast %broadcast_in_dim3A_10 : vector<1x32x32x768xf32> to vector<1x32x32x768xf32>
    %broadcast_in_dim3A_12 = vector.broadcast %broadcast_in_dim3A_11 : vector<1x32x32x768xf32> to vector<2x32x32x768xf32>
    %swap3A = arith.constant 0 : index
    %swap3A_13 = arith.constant 0 : index
    %swap3A_14 = arith.constant 0 : index
    %swap3A_15 = arith.constant 0 : index
    %swap3A_16 = vector.load %arg3[%swap3A, %swap3A_13, %swap3A_14, %swap3A_15] : memref<2x32x32x768xf32, #tpu.memory_space<vmem>>, vector<2x32x32x768xf32>
    tpu.vector_store %arg3[%swap3A, %swap3A_13, %swap3A_14, %swap3A_15], %broadcast_in_dim3A_12 {strides = array<i32>} : memref<2x32x32x768xf32, #tpu.memory_space<vmem>>, vector<2x32x32x768xf32>,
    return
  }
  func.func @transform_0(%arg0: i32) -> (i32, i32) {
    %c0_i32 = arith.constant 0 : i32
    %c0_i32_0 = arith.constant 0 : i32
    %c0_i32_1 = arith.constant 0 : i32
    return %c0_i32, %c0_i32_0 : i32, i32
  }
  func.func @transform_1(%arg0: i32) -> (i32, i32) {
    %c0_i32 = arith.constant 0 : i32
    %c0_i32_0 = arith.constant 0 : i32
    %c0_i32_1 = arith.constant 0 : i32
    return %c0_i32, %c0_i32_0 : i32, i32
  }
  func.func @transform_2(%arg0: i32) -> (i32, i32, i32, i32) {
    %c0_i32 = arith.constant 0 : i32
    %c0_i32_0 = arith.constant 0 : i32
    %c0_i32_1 = arith.constant 0 : i32
    %c0_i32_2 = arith.constant 0 : i32
    return %arg0, %c0_i32, %c0_i32_0, %c0_i32_1 : i32, i32, i32, i32
  }
}

module attributes {stable_mosaic.version = 14 : i64} {
  func.func @_tc_tail_body(%arg0: i32, %arg1: memref<32x768xf32, #tpu.memory_space<vmem>>, %arg2: memref<64x32x32x768xf32, #tpu.memory_space<hbm>>, %arg3: memref<1x32x32x768xf32, #tpu.memory_space<vmem>>) attributes {dimension_semantics = [#tpu.dimension_semantics<arbitrary>], iteration_bounds = array<i64: 2>, scalar_prefetch = 0 : i64, scratch_operands = 0 : i64, tpu.core_type = #tpu.core_type<tc>, window_params = [{pipeline_mode = #tpu.pipeline_mode<synchronous>, transform_indices = @transform_0, window_bounds = array<i64: 32, 768>}, {}, {transform_indices = @transform_2, window_bounds = array<i64: 1, 32, 32, 768>}]} {
    %get3A = arith.constant 0 : index
    %get3A_0 = arith.constant 0 : index
    %get3A_1 = vector.load %arg1[%get3A, %get3A_0] : memref<32x768xf32, #tpu.memory_space<vmem>>, vector<32x768xf32>
    %slice3A = vector.extract_strided_slice %get3A_1 {offsets = [0, 0], sizes = [32, 384], strides = [1, 1]} : vector<32x768xf32> to vector<32x384xf32>
    %slice3A_2 = vector.extract_strided_slice %get3A_1 {offsets = [0, 384], sizes = [32, 384], strides = [1, 1]} : vector<32x768xf32> to vector<32x384xf32>
    %broadcast_in_dim3A = vector.shape_cast %slice3A : vector<32x384xf32> to vector<32x1x384xf32>
    %broadcast_in_dim3A_3 = vector.shape_cast %broadcast_in_dim3A : vector<32x1x384xf32> to vector<32x1x384xf32>
    %broadcast_in_dim3A_4 = vector.broadcast %broadcast_in_dim3A_3 : vector<32x1x384xf32> to vector<32x32x384xf32>
    %broadcast_in_dim3A_5 = vector.shape_cast %slice3A_2 : vector<32x384xf32> to vector<1x32x384xf32>
    %broadcast_in_dim3A_6 = vector.shape_cast %broadcast_in_dim3A_5 : vector<1x32x384xf32> to vector<1x32x384xf32>
    %broadcast_in_dim3A_7 = vector.broadcast %broadcast_in_dim3A_6 : vector<1x32x384xf32> to vector<32x32x384xf32>
    %concatenate3A = tpu.concatenate %broadcast_in_dim3A_4, %broadcast_in_dim3A_7 in 2 : vector<32x32x384xf32>, vector<32x32x384xf32> -> vector<32x32x768xf32>
    %broadcast_in_dim3A_8 = vector.shape_cast %concatenate3A : vector<32x32x768xf32> to vector<1x32x32x768xf32>
    %swap3A = arith.constant 0 : index
    %swap3A_9 = arith.constant 0 : index
    %swap3A_10 = arith.constant 0 : index
    %swap3A_11 = arith.constant 0 : index
    %swap3A_12 = vector.load %arg3[%swap3A, %swap3A_9, %swap3A_10, %swap3A_11] : memref<1x32x32x768xf32, #tpu.memory_space<vmem>>, vector<1x32x32x768xf32>
    tpu.vector_store %arg3[%swap3A, %swap3A_9, %swap3A_10, %swap3A_11], %broadcast_in_dim3A_8 {strides = array<i32>} : memref<1x32x32x768xf32, #tpu.memory_space<vmem>>, vector<1x32x32x768xf32>,
    return
  }
  func.func @transform_0(%arg0: i32) -> (i32, i32) {
    %c0_i32 = arith.constant 0 : i32
    %c0_i32_0 = arith.constant 0 : i32
    %c0_i32_1 = arith.constant 0 : i32
    return %c0_i32, %c0_i32_0 : i32, i32
  }
  func.func @transform_2(%arg0: i32) -> (i32, i32, i32, i32) {
    %add3A = arith.constant 62 : i32
    %add3A_0 = arith.addi %add3A, %arg0 : i32
    %c0_i32 = arith.constant 0 : i32
    %c0_i32_1 = arith.constant 0 : i32
    %c0_i32_2 = arith.constant 0 : i32
    %c0_i32_3 = arith.constant 0 : i32
    return %add3A_0, %c0_i32, %c0_i32_1, %c0_i32_2 : i32, i32, i32, i32
  }
}

</mosaic_0001>

<sc_bundles>
// kernel: kernel.5.cloned.1.call-start
scs
__scs_entry_jumppad:
0x0: {  	(pc) =	sbr.rel $0x88, $3  }
0x1: {  	(tag) =	ssettag $0x0;
	lr =	simm.s32 $0x1  }
0x2: {  	[smem:$0x3F9F] =	sst lr;
	_ =	strace $0xD0000000  }
0x3: {  	_ = 	snop  }
0x4: {  	_ = 	snop  }
0x5: {  	_ = 	snop  }
0x6: {  	_ = 	snop  }
0x7: {  	_ = 	snop  }
__scs_overlays_trampoline_lowered:
0x8: {  	[smem:$0x3FAE] =	sst s0  }
0x9: {  	[smem:$0x3FAF] =	sst s1  }
0xa: {  	[smem:$0x3FB0] =	sst s2  }
0xb: {  	[smem:$0x3FB1] =	sst s3  }
0xc: {  	[smem:$0x3FB2] =	sst s4  }
0xd: {  	[smem:$0x3FB3] =	sst s5  }
0xe: {  	[smem:$0x3FB4] =	sst s6  }
0xf: {  	[smem:$0x3FB5] =	sst s7  }
0x10: {  	[smem:$0x3FB6] =	sst s8  }
0x11: {  	[smem:$0x3FB7] =	sst s9;
	s0 =	simm.s32 @!p0 $0x0  }
0x12: {  	s1 =	sld [smem:$0x3F9D];
	s0 =	simm.s32 @p0 $0x1  }
0x13: {  	[smem:$0x3FB8] =	sst s0;
	s0 =	simm.s32 @!p1 $0x0  }
0x14: {  	s2 =	sld [smem:$0x3F9C];
	s0 =	simm.s32 @p1 $0x1  }
0x15: {  	[smem:$0x3FB9] =	sst s0;
	s0 =	simm.s32 @!p2 $0x0  }
0x16: {  	s3 =	sld [smem:$0x3FDB];
	s0 =	simm.s32 @p2 $0x1  }
0x17: {  	s4 =	simm.s32 $0x1BF5;
	[smem:$0x3FBB] =	sst s0  }
0x18: {  	s0 =	sld [smem:$0x3F9E];
	_ =	swait.ge [sflag:s4], $0x0  }
0x19: {  	s7 =	sld [smem:$0x3F9F]  }
0x1a: {  	s8 =	sadd.s32 $0xFFFFE003, lr  }
0x1b: {  	s9 =	sadd.s32 $0xFFFFFEF7, lr;
	s5 =	simm.s32 $0xFFFFFFFF;
	p2 =	slt.u32 s8, $0xFFFFF086  }
0x1c: {  	p1 =	slt.u32 s9, $0xF7A;
	s5 =	simm.s32 @!p2 $0x0  }
0x1d: {  	s5 =	simm.s32 @p1 $0x1;
	p0 =	seq.s32 s7, s2  }
0x1e: {  	s7 =	smul.u32 @!p0 $0xF7A, s2;
	p2 =	seq.s32 @!p0 s5, $0x0  }
0x1f: {  	s9 =	smul.u32 $0xF7A, s1;
	s8 =	simm.s32 @!p0 $0x1BF5;
	p2 =	por !p2, p0  }
0x20: {  	[sflag:s8] =	ssyncset.s32 @!p0 $0xFFFFF086;
	s6 =	sadd.s32 @!p0 s3, s7;
	s7 =	simm.s32 @!p0 $0x108  }
0x21: {  	s3 =	sadd.s32 s3, s9;
	s6 =	sadd.s32 @!p0 $0x88, s6;
	s7 =	simm.s32 @p2 $0x1082  }
0x22: {  	[simem:s7], [sflag:s8] =	dma.local @!p0 [hbm:s6], $0xF7A  }
0x23: {  	s9 =	sor.u32 $0xD0000000, s2;
	s6 =	simm.s32 $0x108;
	_ =	swait.ge @!p0 [sflag:s8], $0x0  }
0x24: {  	s3 =	sadd.s32 $0x88, s3;
	s6 =	simm.s32 @!p1 $0x1082;
	[sflag:s4] =	ssyncset.s32 $0xFFFFF086  }
0x25: {  	[simem:s6], [sflag:s4] =	dma.local [hbm:s3], $0xF7A  }
0x26: {  	[smem:$0x3F9F] =	sst s1;
	(tag) =	ssettag s2;
	_ =	strace s9  }
0x27: {  	s1 =	sld [smem:$0x3FAF]  }
0x28: {  	s2 =	sld [smem:$0x3FB0]  }
0x29: {  	s4 =	sld [smem:$0x3FB2]  }
0x2a: {  	p0 =	seq.s32 s5, $0x0;
	s5 =	sld [smem:$0x3FB3]  }
0x2b: {  	s6 =	sld [smem:$0x3FB4]  }
0x2c: {  	s7 =	sld [smem:$0x3FB5]  }
0x2d: {  	s3 =	simm.s32 $0x108;
	s8 =	sld [smem:$0x3FB6]  }
0x2e: {  	s3 =	simm.s32 @!p0 $0x1082;
	s9 =	sld [smem:$0x3FB7]  }
0x2f: {  	lr =	sadd.s32 s0, s3;
	s0 =	sld [smem:$0x3FAE]  }
0x30: {  	s3 =	sld [smem:$0x3FB1]  }
0x31: {  	[smem:$0x3FBA] =	sst s10  }
0x32: {  	s10 =	sld [smem:$0x3FB8];
	_ =	sdelay $0x3  }
0x33: {  	p0 =	seq.s32 s10, $0x1;
	s10 =	sld [smem:$0x3FBA];
	_ =	sdelay $0x3  }
0x34: {  	[smem:$0x3FBA] =	sst s10  }
0x35: {  	s10 =	sld [smem:$0x3FB9];
	_ =	sdelay $0x3  }
0x36: {  	p1 =	seq.s32 s10, $0x1;
	s10 =	sld [smem:$0x3FBA];
	_ =	sdelay $0x3  }
0x37: {  	[smem:$0x3FBA] =	sst s10  }
0x38: {  	s10 =	sld [smem:$0x3FBB]  }
0x39: {  	_ = 	snop;
	(pc) =	sbr.ind lr, $3  }
0x3a: {  	_ = 	snop  }
0x3b: {  	_ = 	snop  }
0x3c: {  	p2 =	seq.s32 s10, $0x1;
	s10 =	sld [smem:$0x3FBA]  }
0x3d: {  	_ =	shalt  }
0x3e: {  	_ =	shalt  }
0x3f: {  	_ =	shalt  }
0x40: {  	_ =	shalt  }
0x41: {  	_ =	shalt  }
0x42: {  	_ =	shalt  }
0x43: {  	_ =	shalt  }
0x44: {  	_ =	shalt  }
0x45: {  	_ =	shalt  }
0x46: {  	_ =	shalt  }
0x47: {  	_ =	shalt  }
0x48: {  	_ =	shalt  }
0x49: {  	_ =	shalt  }
0x4a: {  	_ =	shalt  }
0x4b: {  	_ =	shalt  }
0x4c: {  	_ =	shalt  }
0x4d: {  	_ =	shalt  }
0x4e: {  	_ =	shalt  }
0x4f: {  	_ =	shalt  }
0x50: {  	_ =	shalt  }
0x51: {  	_ =	shalt  }
0x52: {  	_ =	shalt  }
0x53: {  	_ =	shalt  }
0x54: {  	_ =	shalt  }
0x55: {  	_ =	shalt  }
0x56: {  	_ =	shalt  }
0x57: {  	_ =	shalt  }
0x58: {  	_ =	shalt  }
0x59: {  	_ =	shalt  }
0x5a: {  	_ =	shalt  }
0x5b: {  	_ =	shalt  }
0x5c: {  	_ =	shalt  }
0x5d: {  	_ =	shalt  }
0x5e: {  	_ =	shalt  }
0x5f: {  	_ =	shalt  }
0x60: {  	_ =	shalt  }
0x61: {  	_ =	shalt  }
0x62: {  	_ =	shalt  }
0x63: {  	_ =	shalt  }
0x64: {  	_ =	shalt  }
0x65: {  	_ =	shalt  }
0x66: {  	_ =	shalt  }
0x67: {  	_ =	shalt  }
0x68: {  	_ =	shalt  }
0x69: {  	_ =	shalt  }
0x6a: {  	_ =	shalt  }
0x6b: {  	_ =	shalt  }
0x6c: {  	_ =	shalt  }
0x6d: {  	_ =	shalt  }
0x6e: {  	_ =	shalt  }
0x6f: {  	_ =	shalt  }
0x70: {  	_ =	shalt  }
0x71: {  	_ =	shalt  }
0x72: {  	_ =	shalt  }
0x73: {  	_ =	shalt  }
0x74: {  	_ =	shalt  }
0x75: {  	_ =	shalt  }
0x76: {  	_ =	shalt  }
0x77: {  	_ =	shalt  }
0x78: {  	_ =	shalt  }
0x79: {  	_ =	shalt  }
0x7a: {  	_ =	shalt  }
0x7b: {  	_ =	shalt  }
0x7c: {  	_ =	shalt  }
0x7d: {  	_ =	shalt  }
0x7e: {  	_ =	shalt  }
0x7f: {  	_ =	shalt  }
0x80: {  	_ =	shalt  }
0x81: {  	_ =	shalt  }
0x82: {  	_ =	shalt  }
0x83: {  	_ =	shalt  }
0x84: {  	_ =	shalt  }
0x85: {  	_ =	shalt  }
0x86: {  	_ =	shalt  }
0x87: {  	_ =	shalt  }
.Lfunc_end0:
.L_simem_size_0:
called_computation_lowered:
.L_overlay_start_0:
0x88: {  	s0 =	sld [smem:$0x3FD9]  }
0x89: {  	s1 =	sld [smem:$0x3FFE];
	_ =	sdelay $0x1  }
0x8a: {  	s2 =	srdreg.scid  }
0x8b: {  	s3 =	sand.u32 $0x1, s2  }
0x8c: {  	s25 =	sshll.u32 s3, $0xA;
	s0 =	sadd.s32 s1, s0  }
0x8d: {  	s0 =	sadd.s32 s0, s25  }
0x8e: {  	s4 =	simm.s32 $0x0;
	[smem:$0x3FC6] =	sst s0  }
0x8f: {  	[smem:$0xF] =	sst s4  }
0x90: {  	s0 =	sld [smem:$0x3FC9]  }
0x91: {  	s1 =	sld [smem:$0x3FC8];
	(tm) =	ssettm $0x1  }
0x92: {  	s26 =	sld [smem:$0x3FFB];
	_ =	sdelay $0x3  }
0x93: {  	_ =	strace s26  }
0x94: {  	s4 =	sld [smem:$0x3FFC];
	_ =	sdelay $0x3  }
0x95: {  	_ =	strace s4  }
0x96: {  	s4 =	sld [smem:$0x3FFD];
	_ =	sdelay $0x3  }
0x97: {  	_ =	strace s4  }
0x98: {  	s28 =	simm.s32 $0x1B8B;
	_ =	strace $0x8FFFFFFF  }
0x99: {  	_ =	swait.ge [sflag:s28], $0x1  }
0x9a: {  	s5 =	sld [smem:$0x3FFE];
	_ =	sdelay $0x1  }
0x9b: {  	s29 =	simm.s32 $0x1B8E;
	p0 =	seq.s32 s3, $0x1;
	[sflag:s28] =	ssyncset.done $0x0  }
0x9c: {  	s6 =	simm.s32 @p0 $0x18;
	s7 =	simm.s32 @p0 $0x300;
	[sflag:s28] =	ssyncadd.s32 $0xFFFFFFFF  }
0x9d: {  	s8 =	simm.s32 @p0 $0x180;
	[smem:$0x3FD2] =	sst s29;
	s4 =	sadd.s32 $0xA00, s5  }
0x9e: {  	s9 =	simm.s32 @p0 $0x9;
	_ =	strace $0x80000046;
	s5 =	sadd.s32 @p0 $0x180, s4  }
0x9f: {  	[hbm:s5@s7], [sflag:s9] =	dma.strided @p0 [hbm:s1@s8], $0x600, s6, $0x10   }
0xa0: {  	_ =	swait.ge @p0 [sflag:s9], $0x600  }
0xa1: {  	[sflag:s9] =	ssyncset.done @p0 $0x0  }
0xa2: {  	s1 =	simm.s32 @!p0 $0x18;
	[sflag:s9] =	ssyncadd.s32 @p0 $0xFFFFFA00  }
0xa3: {  	s5 =	simm.s32 @!p0 $0x300;
	s6 =	simm.s32 @!p0 $0x180;
	s7 =	simm.s32 @!p0 $0xA  }
0xa4: {  	[hbm:s4@s5], [sflag:s7] =	dma.strided @!p0 [hbm:s0@s6], $0x600, s1, $0x10   }
0xa5: {  	_ =	swait.ge @!p0 [sflag:s7], $0x600  }
0xa6: {  	[sflag:s7] =	ssyncset.done @!p0 $0x0  }
0xa7: {  	[sflag:s7] =	ssyncadd.s32 @!p0 $0xFFFFFA00  }
0xa8: {  	_ =	strace $0x90000046  }
0xa9: {  	_ =	sfence  }
0xaa: {  	s30 =	sld [smem:$0x0];
	_ =	sdelay $0x2  }
0xab: {  	s31 =	sshll.u32 s2, $0xD;
	s2 =	sshrl.u32 s2, $0x2  }
0xac: {  	s1 =	sand.u32 $0x4000, s31;
	s0 =	sadd.s32 s2, s30  }
0xad: {  	s1 =	sor.u32 s1, s3;
	s0 =	sshll.u32 s0, $0x11  }
0xae: {  	s0 =	sor.u32 s0, s1  }
0xaf: {  	s0 =	sadd.s32 $0x8F2B, s0;
	(pc) =	sbr.abs _section_cstart, $3  }
0xb0: {  	[sflag:s0] =	ssyncadd.remote.s32 $0x1  }
0xb1: {  	_ =	strace $0x9FFFFFFF  }
0xb2: {  	(tm) =	ssettm $0x7FFFFFFF  }
0xb3: {  	_ =	shalt  }

</sc_bundles>
